<compile_context>
chip_gen: v7x
topology: tpu7x:2x2x1
jax: 0.10.2.dev20260603
libtpu: 0.0.44.dev20260713+nightly
codegen_flags: <defaults>
</compile_context>

<pallas_src>
import functools

import jax
import jax.numpy as jnp
from jax import lax
from jax.experimental import pallas as pl
from jax.experimental.pallas import tpu as pltpu
from jax.experimental.pallas import tpu_sc as plsc

_NUM_BAGS = 16
_NUM_INST = 256
_G = 4096
_VOCAB = 128
_NC = 2
_NS = 16
_NW = _NC * _NS
_GPW = _G // _NW
_L = 16


@functools.cache
def _make_ig_gather():
    mesh = plsc.VectorSubcoreMesh(core_axis_name="c", subcore_axis_name="s")
    half = _GPW // 2

    @functools.partial(
        pl.kernel,
        mesh=mesh,
        out_type=jax.ShapeDtypeStruct((_G, _L), jnp.float32),
        scratch_types=[
            pltpu.VMEM((_GPW,), jnp.int32),
            pltpu.VMEM((_GPW, _L), jnp.float32),
            pltpu.SemaphoreType.DMA,
            pltpu.SemaphoreType.DMA,
        ],
        compiler_params=pltpu.CompilerParams(use_tc_tiling_on_sc=False),
    )
    def ig_gather(table_hbm, idx_hbm, out_hbm, idx_v, rows_v, sem0, sem1):
        wid = lax.axis_index("s") * _NC + lax.axis_index("c")
        base = wid * _GPW
        pltpu.sync_copy(idx_hbm.at[pl.ds(base, _GPW)], idx_v)
        cp0 = pltpu.async_copy(
            table_hbm.at[idx_v.at[pl.ds(0, half)]],
            rows_v.at[pl.ds(0, half)], sem0)
        cp1 = pltpu.async_copy(
            table_hbm.at[idx_v.at[pl.ds(half, half)]],
            rows_v.at[pl.ds(half, half)], sem1)
        lane = lax.iota(jnp.int32, _L)

        def sig4(j, carry):
            for u in range(4):
                v = rows_v[j * 4 + u]
                sig = 1.0 / (1.0 + jnp.exp(-v))
                rows_v[j * 4 + u] = jnp.where(lane == 0, sig, 1.0)
            return carry

        cp0.wait()
        lax.fori_loop(0, half // 4, sig4, 0)
        wb0 = pltpu.async_copy(
            rows_v.at[pl.ds(0, half)],
            out_hbm.at[pl.ds(base, half)], sem0)
        cp1.wait()
        lax.fori_loop(half // 4, _GPW // 4, sig4, 0)
        pltpu.sync_copy(
            rows_v.at[pl.ds(half, half)],
            out_hbm.at[pl.ds(base + half, half)])
        wb0.wait()

    return ig_gather


_NBS = 2
_ROWS = _NBS * _NUM_INST


def _mil_body(a_ref, b_ref, al_ref, be_ref, wm_ref, x_ref, dcol_ref, drow_ref,
              out_ref):
    ea = jnp.exp(a_ref[0, 0])
    eb = jnp.exp(b_ref[0, 0])

    y = jnp.minimum((-eb) * x_ref[...], 75.0)
    e = jnp.exp(y)
    sw = lax.dot_general(e, wm_ref[...], (((1,), (0,)), ((), ())),
                         preferred_element_type=jnp.float32)
    w = sw[:, 0:1]
    s = sw[:, 1:2]
    z = (w / s).reshape(_NBS, _NUM_INST, 1)

    dzc = (-ea) * dcol_ref[...].reshape(_NBS, _NUM_INST, 1)
    dzr = (-ea) * drow_ref[...]
    gt = (dzr > dzc).astype(jnp.float32)
    gc = jnp.sum(gt, axis=2, keepdims=True)
    sgt = jnp.sum(dzr * gt, axis=2, keepdims=True)
    supp = (gc * dzc + 1.0 > sgt).astype(jnp.float32)
    k = jnp.sum(supp, axis=1, keepdims=True)
    tau = (jnp.sum(supp * dzc, axis=1, keepdims=True) - 1.0) / k
    d = jnp.maximum(dzc - tau, 0.0)

    bag = jnp.sum(d * z, axis=1, keepdims=True)
    ealpha = jnp.exp(al_ref[0, 0])
    beta = be_ref[0, 0]
    out_ref[...] = 1.0 / (1.0 + jnp.exp(-(ealpha * bag + beta)))


def _mil_call(a2, b2, al2, be2, wm, x2, dcol, drow):
    smem = functools.partial(pl.BlockSpec, memory_space=pltpu.SMEM)
    return pl.pallas_call(
        _mil_body,
        grid=(_NUM_BAGS // _NBS,),
        in_specs=[
            smem((1, 1), lambda i: (0, 0)),
            smem((1, 1), lambda i: (0, 0)),
            smem((1, 1), lambda i: (0, 0)),
            smem((1, 1), lambda i: (0, 0)),
            pl.BlockSpec((_G, _L), lambda i: (0, 0)),
            pl.BlockSpec((_ROWS, _G), lambda i: (i, 0)),
            pl.BlockSpec((_ROWS, 1), lambda i: (i, 0)),
            pl.BlockSpec((_NBS, 1, _NUM_INST), lambda i: (i, 0, 0)),
        ],
        out_specs=pl.BlockSpec((_NBS, 1, 1), lambda i: (i, 0, 0)),
        out_shape=jax.ShapeDtypeStruct((_NUM_BAGS, 1, 1), jnp.float32),
        compiler_params=pltpu.CompilerParams(
            dimension_semantics=("parallel",)),
    )(a2, b2, al2, be2, wm, x2, dcol, drow)


def kernel(distances, gene_expressions, current_genes, a, b, ig_table, alpha,
           beta):
    table16 = jnp.broadcast_to(ig_table[:, None], (_VOCAB, _L))
    wm = _make_ig_gather()(table16, current_genes)
    x2 = gene_expressions.reshape(_NUM_BAGS * _NUM_INST, _G)
    dcol = distances.reshape(_NUM_BAGS * _NUM_INST, 1)
    drow = distances.reshape(_NUM_BAGS, 1, _NUM_INST)
    out = _mil_call(
        a.reshape(1, 1), b.reshape(1, 1), alpha.reshape(1, 1),
        beta.reshape(1, 1), wm, x2, dcol, drow)
    return out.reshape(_NUM_BAGS)

# --- scband reference (transcript-rebuilt; emitter-appended) ---
"""Pipeline reference for scband-mil-10960756539947 (READ-ONLY COPY).

The authoritative reference and input builder live on the scoring server;
editing this copy changes nothing except your own understanding.
"""

import jax, jax.numpy as jnp
import numpy as np

NUM_BAGS = 16
NUM_INST = 256
NUM_CUR_GENES = 4096
VOCAB = 128

def sparsemax(z, axis):
    n = z.shape[axis]
    z_sorted = -jnp.sort(-z, axis=axis)
    z_cum = jnp.cumsum(z_sorted, axis=axis)
    shape = [1] * z.ndim
    shape[axis] = n
    rng = jnp.arange(1, n + 1, dtype=z.dtype).reshape(shape)
    support = rng * z_sorted > (z_cum - 1.0)
    k = jnp.sum(support.astype(jnp.int32), axis=axis, keepdims=True)
    z_cum_k = jnp.take_along_axis(z_cum, k - 1, axis=axis)
    tau = (z_cum_k - 1.0) / k.astype(z.dtype)
    return jnp.maximum(z - tau, 0.0)

def setup_inputs(seed: int = 0) -> dict:
    key = jax.random.key(seed)
    k1, k2, k3 = jax.random.split(key, 3)
    distances = jax.random.uniform(k1, (NUM_BAGS, NUM_INST, 1), dtype=jnp.float32)
    gene_expressions = jax.random.normal(k2, (NUM_BAGS, NUM_INST, NUM_CUR_GENES), dtype=jnp.float32)
    current_genes = jax.random.randint(k3, (NUM_CUR_GENES,), 0, VOCAB, dtype=jnp.int32)
    a = jnp.asarray(1.0, dtype=jnp.float32)
    b = jnp.asarray(1.0, dtype=jnp.float32)
    ig_table = jnp.full((VOCAB,), -1.0, dtype=jnp.float32)
    alpha = jnp.asarray(1.0, dtype=jnp.float32)
    beta = jnp.asarray(1.0, dtype=jnp.float32)
    return {"distances": distances, "gene_expressions": gene_expressions, "current_genes": current_genes, "a": a, "b": b, "ig_table": ig_table, "alpha": alpha, "beta": beta}

def reference(distances, gene_expressions, current_genes, a, b, ig_table, alpha, beta):
    # Distance: sparsemax(-exp(a) * x) along instance dim (dim=0 per bag -> axis=1 batched)
    d = sparsemax(-jnp.exp(a) * distances, axis=1)  # [B, N, 1]
    # Gene_expression: softmax(-exp(b) * x) along last dim
    ge = jax.nn.softmax(-jnp.exp(b) * gene_expressions, axis=-1)  # [B, N, G]
    # Immunogenicity: embedding lookup of current genes into learned table, then sigmoid
    ig = jax.nn.sigmoid(jnp.take(ig_table, current_genes, axis=0))  # [G]
    # All current genes exist in the vocab, so filtered == current and gene_indices == arange(G)
    z = jnp.einsum("bng,g->bn", ge, ig)  # [B, N]
    bag = jnp.sum(d * z[..., None], axis=1)  # [B, 1]
    out = jax.nn.sigmoid(jnp.exp(alpha) * bag + beta)  # [B, 1]
    return out.squeeze(-1)  # [B]

if __name__ == "__main__":
    import jax
    _d = setup_inputs()
    print(jax.jit(kernel)(*tuple(_d.values())))

</pallas_src>

<mosaic_0001>
#map = affine_map<(d0, d1) -> (0, 0)>
#map1 = affine_map<(d0, d1) -> (0)>
module attributes {stable_mosaic.version = 14 : i64} {
  func.func @ig_gather(%arg0: i32, %arg1: i32, %arg2: memref<128x16xf32, #tpu.memory_space<hbm>>, %arg3: memref<4096xi32, #tpu.memory_space<hbm>>, %arg4: memref<4096x16xf32, #tpu.memory_space<hbm>>, %arg5: memref<128xi32, #tpu.memory_space<vmem>>, %arg6: memref<128x16xf32, #tpu.memory_space<vmem>>, %arg7: memref<!tpu.dma_semaphore, #tpu.memory_space<semaphore_mem>>, %arg8: memref<!tpu.dma_semaphore, #tpu.memory_space<semaphore_mem>>) attributes {dimension_semantics = [#tpu.dimension_semantics<core_parallel>, #tpu.dimension_semantics<subcore_parallel>], iteration_bounds = array<i64: 2, 16>, scalar_prefetch = 0 : i64, scratch_operands = 4 : i64, tpu.core_type = #tpu.core_type<sc_vector_subcore>, window_params = [{transform_indices = #map}, {transform_indices = #map1}, {transform_indices = #map}]} {
    %mul3A = arith.constant 2 : i32
    %mul3A_0 = arith.muli %arg1, %mul3A : i32
    %add3A = arith.addi %mul3A_0, %arg0 : i32
    %mul3A_1 = arith.constant 128 : i32
    %mul3A_2 = arith.muli %add3A, %mul3A_1 : i32
    "tpu.region"() ({
      %run_scoped3A = tpu.sem_alloc : memref<!tpu.dma_semaphore, #tpu.memory_space<semaphore_mem>>
      %dma_start3A_66 = tpu.memref_slice %arg3[%mul3A_2] : memref<4096xi32, #tpu.memory_space<hbm>> -> memref<128xi32, #tpu.memory_space<hbm>>
      %dma_start3A_67 = tpu.memref_slice %arg3[%mul3A_2] : memref<4096xi32, #tpu.memory_space<hbm>> -> memref<128xi32, #tpu.memory_space<hbm>>
      tpu.enqueue_dma source(%dma_start3A_67 : memref<128xi32, #tpu.memory_space<hbm>>) target(%arg5 : memref<128xi32, #tpu.memory_space<vmem>>) target_semaphore(%run_scoped3A : memref<!tpu.dma_semaphore, #tpu.memory_space<semaphore_mem>>)
      %dma_wait3A_68 = tpu.memref_slice %arg3[%mul3A_2] : memref<4096xi32, #tpu.memory_space<hbm>> -> memref<128xi32, #tpu.memory_space<hbm>>
      %dma_wait3A_69 = tpu.memref_slice %arg3[%mul3A_2] : memref<4096xi32, #tpu.memory_space<hbm>> -> memref<128xi32, #tpu.memory_space<hbm>>
      tpu.wait_dma2 semaphore(%run_scoped3A : memref<!tpu.dma_semaphore, #tpu.memory_space<semaphore_mem>>) src(%dma_wait3A_69 : memref<128xi32, #tpu.memory_space<hbm>>) dst(%arg5 : memref<128xi32, #tpu.memory_space<vmem>>)
      tpu.yield
    }) : () -> ()
    %dma_start3A = arith.constant 0 : i32
    %dma_start3A_3 = arith.constant 0 : i32
    %dma_start3A_4 = tpu.memref_slice %arg6[%dma_start3A, %dma_start3A_3] : memref<128x16xf32, #tpu.memory_space<vmem>> -> memref<64x16xf32, #tpu.memory_space<vmem>>
    %dma_start3A_5 = arith.constant 0 : i32
    %dma_start3A_6 = tpu.memref_slice %arg5[%dma_start3A_5] : memref<128xi32, #tpu.memory_space<vmem>> -> memref<64xi32, #tpu.memory_space<vmem>>
    %dma_start3A_7 = arith.constant 0 : i32
    %dma_start3A_8 = arith.constant 0 : i32
    %dma_start3A_9 = tpu.memref_slice %arg2[%dma_start3A_7, %dma_start3A_8] : memref<128x16xf32, #tpu.memory_space<hbm>> -> memref<128x16xf32, #tpu.memory_space<hbm>>
    tpu.enqueue_indirect_dma source(%dma_start3A_9 : memref<128x16xf32, #tpu.memory_space<hbm>>) target(%dma_start3A_4 : memref<64x16xf32, #tpu.memory_space<vmem>>) offsets(%dma_start3A_6 : memref<64xi32, #tpu.memory_space<vmem>>) semaphore(%arg7 : memref<!tpu.dma_semaphore, #tpu.memory_space<semaphore_mem>>)
    %dma_start3A_10 = arith.constant 64 : i32
    %dma_start3A_11 = arith.constant 0 : i32
    %dma_start3A_12 = tpu.memref_slice %arg6[%dma_start3A_10, %dma_start3A_11] : memref<128x16xf32, #tpu.memory_space<vmem>> -> memref<64x16xf32, #tpu.memory_space<vmem>>
    %dma_start3A_13 = arith.constant 64 : i32
    %dma_start3A_14 = tpu.memref_slice %arg5[%dma_start3A_13] : memref<128xi32, #tpu.memory_space<vmem>> -> memref<64xi32, #tpu.memory_space<vmem>>
    %dma_start3A_15 = arith.constant 0 : i32
    %dma_start3A_16 = arith.constant 0 : i32
    %dma_start3A_17 = tpu.memref_slice %arg2[%dma_start3A_15, %dma_start3A_16] : memref<128x16xf32, #tpu.memory_space<hbm>> -> memref<128x16xf32, #tpu.memory_space<hbm>>
    tpu.enqueue_indirect_dma source(%dma_start3A_17 : memref<128x16xf32, #tpu.memory_space<hbm>>) target(%dma_start3A_12 : memref<64x16xf32, #tpu.memory_space<vmem>>) offsets(%dma_start3A_14 : memref<64xi32, #tpu.memory_space<vmem>>) semaphore(%arg8 : memref<!tpu.dma_semaphore, #tpu.memory_space<semaphore_mem>>)
    %iota3A = tpu.iota {dimensions = array<i32: 0>} : vector<16xi32>
    %dma_wait3A = arith.constant 0 : i32
    %dma_wait3A_18 = arith.constant 0 : i32
    %dma_wait3A_19 = tpu.memref_slice %arg6[%dma_wait3A, %dma_wait3A_18] : memref<128x16xf32, #tpu.memory_space<vmem>> -> memref<64x16xf32, #tpu.memory_space<vmem>>
    %dma_wait3A_20 = arith.constant 0 : i32
    %dma_wait3A_21 = tpu.memref_slice %arg5[%dma_wait3A_20] : memref<128xi32, #tpu.memory_space<vmem>> -> memref<64xi32, #tpu.memory_space<vmem>>
    %dma_wait3A_22 = arith.constant 0 : i32
    %dma_wait3A_23 = arith.constant 0 : i32
    %dma_wait3A_24 = tpu.memref_slice %arg2[%dma_wait3A_22, %dma_wait3A_23] : memref<128x16xf32, #tpu.memory_space<hbm>> -> memref<128x16xf32, #tpu.memory_space<hbm>>
    tpu.wait_indirect_dma semaphore(%arg7 : memref<!tpu.dma_semaphore, #tpu.memory_space<semaphore_mem>>) src(%dma_wait3A_24 : memref<128x16xf32, #tpu.memory_space<hbm>>) dst(%dma_wait3A_19 : memref<64x16xf32, #tpu.memory_space<vmem>>)
    %scan3A = arith.constant 0 : i32
    %scan3A_25 = arith.constant 0 : i32
    %scan3A_26 = arith.constant 16 : i32
    %scan3A_27 = arith.addi %scan3A_25, %scan3A_26 : i32
    %scan3A_28 = arith.constant 1 : i32
    scf.for %scan3A_66 = %scan3A_25 to %scan3A_27 step %scan3A_28  : i32 {
      %mul3A_67 = arith.constant 4 : i32
      %mul3A_68 = arith.muli %scan3A_66, %mul3A_67 : i32
      %add3A_69 = arith.constant 0 : i32
      %add3A_70 = arith.addi %mul3A_68, %add3A_69 : i32
      %get3A = arith.index_cast %add3A_70 : i32 to index
      %get3A_71 = arith.constant 0 : index
      %get3A_72 = tpu.vector_load %arg6[%get3A, %get3A_71] {strides = array<i32>} : memref<128x16xf32, #tpu.memory_space<vmem>>, vector<1x16xf32>,
      %get3A_73 = vector.shape_cast %get3A_72 : vector<1x16xf32> to vector<16xf32>
      %neg3A = arith.constant 0.000000e+00 : f32
      %neg3A_74 = vector.broadcast %neg3A : f32 to vector<16xf32>
      %neg3A_75 = arith.subf %neg3A_74, %get3A_73 : vector<16xf32>
      %exp3A = math.exp %neg3A_75 : vector<16xf32>
      %add3A_76 = arith.constant 1.000000e+00 : f32
      %add3A_77 = vector.broadcast %add3A_76 : f32 to vector<16xf32>
      %add3A_78 = arith.addf %add3A_77, %exp3A : vector<16xf32>
      %div3A = arith.constant 1.000000e+00 : f32
      %div3A_79 = vector.broadcast %div3A : f32 to vector<16xf32>
      %div3A_80 = arith.divf %div3A_79, %add3A_78 : vector<16xf32>
      %eq3A = arith.constant 0 : i32
      %eq3A_81 = vector.broadcast %eq3A : i32 to vector<16xi32>
      %eq3A_82 = arith.cmpi eq, %iota3A, %eq3A_81 : vector<16xi32>
      %jit3A = arith.constant 1.000000e+00 : f32
      %broadcast_in_dim3A = vector.broadcast %jit3A : f32 to vector<16xf32>
      %select_n3A = arith.select %eq3A_82, %div3A_80, %broadcast_in_dim3A : vector<16xi1>, vector<16xf32>
      %mul3A_83 = arith.constant 4 : i32
      %mul3A_84 = arith.muli %scan3A_66, %mul3A_83 : i32
      %add3A_85 = arith.constant 0 : i32
      %add3A_86 = arith.addi %mul3A_84, %add3A_85 : i32
      %swap3A = arith.index_cast %add3A_86 : i32 to index
      %swap3A_87 = arith.constant 0 : index
      %swap3A_88 = tpu.vector_load %arg6[%swap3A, %swap3A_87] {strides = array<i32>} : memref<128x16xf32, #tpu.memory_space<vmem>>, vector<1x16xf32>,
      %swap3A_89 = vector.shape_cast %swap3A_88 : vector<1x16xf32> to vector<16xf32>
      %swap3A_90 = vector.shape_cast %select_n3A : vector<16xf32> to vector<1x16xf32>
      tpu.vector_store %arg6[%swap3A, %swap3A_87], %swap3A_90 {strides = array<i32>} : memref<128x16xf32, #tpu.memory_space<vmem>>, vector<1x16xf32>,
      %mul3A_91 = arith.constant 4 : i32
      %mul3A_92 = arith.muli %scan3A_66, %mul3A_91 : i32
      %add3A_93 = arith.constant 1 : i32
      %add3A_94 = arith.addi %mul3A_92, %add3A_93 : i32
      %get3A_95 = arith.index_cast %add3A_94 : i32 to index
      %get3A_96 = arith.constant 0 : index
      %get3A_97 = tpu.vector_load %arg6[%get3A_95, %get3A_96] {strides = array<i32>} : memref<128x16xf32, #tpu.memory_space<vmem>>, vector<1x16xf32>,
      %get3A_98 = vector.shape_cast %get3A_97 : vector<1x16xf32> to vector<16xf32>
      %neg3A_99 = arith.constant 0.000000e+00 : f32
      %neg3A_100 = vector.broadcast %neg3A_99 : f32 to vector<16xf32>
      %neg3A_101 = arith.subf %neg3A_100, %get3A_98 : vector<16xf32>
      %exp3A_102 = math.exp %neg3A_101 : vector<16xf32>
      %add3A_103 = arith.constant 1.000000e+00 : f32
      %add3A_104 = vector.broadcast %add3A_103 : f32 to vector<16xf32>
      %add3A_105 = arith.addf %add3A_104, %exp3A_102 : vector<16xf32>
      %div3A_106 = arith.constant 1.000000e+00 : f32
      %div3A_107 = vector.broadcast %div3A_106 : f32 to vector<16xf32>
      %div3A_108 = arith.divf %div3A_107, %add3A_105 : vector<16xf32>
      %eq3A_109 = arith.constant 0 : i32
      %eq3A_110 = vector.broadcast %eq3A_109 : i32 to vector<16xi32>
      %eq3A_111 = arith.cmpi eq, %iota3A, %eq3A_110 : vector<16xi32>
      %jit3A_112 = arith.constant 1.000000e+00 : f32
      %broadcast_in_dim3A_113 = vector.broadcast %jit3A_112 : f32 to vector<16xf32>
      %select_n3A_114 = arith.select %eq3A_111, %div3A_108, %broadcast_in_dim3A_113 : vector<16xi1>, vector<16xf32>
      %mul3A_115 = arith.constant 4 : i32
      %mul3A_116 = arith.muli %scan3A_66, %mul3A_115 : i32
      %add3A_117 = arith.constant 1 : i32
      %add3A_118 = arith.addi %mul3A_116, %add3A_117 : i32
      %swap3A_119 = arith.index_cast %add3A_118 : i32 to index
      %swap3A_120 = arith.constant 0 : index
      %swap3A_121 = tpu.vector_load %arg6[%swap3A_119, %swap3A_120] {strides = array<i32>} : memref<128x16xf32, #tpu.memory_space<vmem>>, vector<1x16xf32>,
      %swap3A_122 = vector.shape_cast %swap3A_121 : vector<1x16xf32> to vector<16xf32>
      %swap3A_123 = vector.shape_cast %select_n3A_114 : vector<16xf32> to vector<1x16xf32>
      tpu.vector_store %arg6[%swap3A_119, %swap3A_120], %swap3A_123 {strides = array<i32>} : memref<128x16xf32, #tpu.memory_space<vmem>>, vector<1x16xf32>,
      %mul3A_124 = arith.constant 4 : i32
      %mul3A_125 = arith.muli %scan3A_66, %mul3A_124 : i32
      %add3A_126 = arith.constant 2 : i32
      %add3A_127 = arith.addi %mul3A_125, %add3A_126 : i32
      %get3A_128 = arith.index_cast %add3A_127 : i32 to index
      %get3A_129 = arith.constant 0 : index
      %get3A_130 = tpu.vector_load %arg6[%get3A_128, %get3A_129] {strides = array<i32>} : memref<128x16xf32, #tpu.memory_space<vmem>>, vector<1x16xf32>,
      %get3A_131 = vector.shape_cast %get3A_130 : vector<1x16xf32> to vector<16xf32>
      %neg3A_132 = arith.constant 0.000000e+00 : f32
      %neg3A_133 = vector.broadcast %neg3A_132 : f32 to vector<16xf32>
      %neg3A_134 = arith.subf %neg3A_133, %get3A_131 : vector<16xf32>
      %exp3A_135 = math.exp %neg3A_134 : vector<16xf32>
      %add3A_136 = arith.constant 1.000000e+00 : f32
      %add3A_137 = vector.broadcast %add3A_136 : f32 to vector<16xf32>
      %add3A_138 = arith.addf %add3A_137, %exp3A_135 : vector<16xf32>
      %div3A_139 = arith.constant 1.000000e+00 : f32
      %div3A_140 = vector.broadcast %div3A_139 : f32 to vector<16xf32>
      %div3A_141 = arith.divf %div3A_140, %add3A_138 : vector<16xf32>
      %eq3A_142 = arith.constant 0 : i32
      %eq3A_143 = vector.broadcast %eq3A_142 : i32 to vector<16xi32>
      %eq3A_144 = arith.cmpi eq, %iota3A, %eq3A_143 : vector<16xi32>
      %jit3A_145 = arith.constant 1.000000e+00 : f32
      %broadcast_in_dim3A_146 = vector.broadcast %jit3A_145 : f32 to vector<16xf32>
      %select_n3A_147 = arith.select %eq3A_144, %div3A_141, %broadcast_in_dim3A_146 : vector<16xi1>, vector<16xf32>
      %mul3A_148 = arith.constant 4 : i32
      %mul3A_149 = arith.muli %scan3A_66, %mul3A_148 : i32
      %add3A_150 = arith.constant 2 : i32
      %add3A_151 = arith.addi %mul3A_149, %add3A_150 : i32
      %swap3A_152 = arith.index_cast %add3A_151 : i32 to index
      %swap3A_153 = arith.constant 0 : index
      %swap3A_154 = tpu.vector_load %arg6[%swap3A_152, %swap3A_153] {strides = array<i32>} : memref<128x16xf32, #tpu.memory_space<vmem>>, vector<1x16xf32>,
      %swap3A_155 = vector.shape_cast %swap3A_154 : vector<1x16xf32> to vector<16xf32>
      %swap3A_156 = vector.shape_cast %select_n3A_147 : vector<16xf32> to vector<1x16xf32>
      tpu.vector_store %arg6[%swap3A_152, %swap3A_153], %swap3A_156 {strides = array<i32>} : memref<128x16xf32, #tpu.memory_space<vmem>>, vector<1x16xf32>,
      %mul3A_157 = arith.constant 4 : i32
      %mul3A_158 = arith.muli %scan3A_66, %mul3A_157 : i32
      %add3A_159 = arith.constant 3 : i32
      %add3A_160 = arith.addi %mul3A_158, %add3A_159 : i32
      %get3A_161 = arith.index_cast %add3A_160 : i32 to index
      %get3A_162 = arith.constant 0 : index
      %get3A_163 = tpu.vector_load %arg6[%get3A_161, %get3A_162] {strides = array<i32>} : memref<128x16xf32, #tpu.memory_space<vmem>>, vector<1x16xf32>,
      %get3A_164 = vector.shape_cast %get3A_163 : vector<1x16xf32> to vector<16xf32>
      %neg3A_165 = arith.constant 0.000000e+00 : f32
      %neg3A_166 = vector.broadcast %neg3A_165 : f32 to vector<16xf32>
      %neg3A_167 = arith.subf %neg3A_166, %get3A_164 : vector<16xf32>
      %exp3A_168 = math.exp %neg3A_167 : vector<16xf32>
      %add3A_169 = arith.constant 1.000000e+00 : f32
      %add3A_170 = vector.broadcast %add3A_169 : f32 to vector<16xf32>
      %add3A_171 = arith.addf %add3A_170, %exp3A_168 : vector<16xf32>
      %div3A_172 = arith.constant 1.000000e+00 : f32
      %div3A_173 = vector.broadcast %div3A_172 : f32 to vector<16xf32>
      %div3A_174 = arith.divf %div3A_173, %add3A_171 : vector<16xf32>
      %eq3A_175 = arith.constant 0 : i32
      %eq3A_176 = vector.broadcast %eq3A_175 : i32 to vector<16xi32>
      %eq3A_177 = arith.cmpi eq, %iota3A, %eq3A_176 : vector<16xi32>
      %jit3A_178 = arith.constant 1.000000e+00 : f32
      %broadcast_in_dim3A_179 = vector.broadcast %jit3A_178 : f32 to vector<16xf32>
      %select_n3A_180 = arith.select %eq3A_177, %div3A_174, %broadcast_in_dim3A_179 : vector<16xi1>, vector<16xf32>
      %mul3A_181 = arith.constant 4 : i32
      %mul3A_182 = arith.muli %scan3A_66, %mul3A_181 : i32
      %add3A_183 = arith.constant 3 : i32
      %add3A_184 = arith.addi %mul3A_182, %add3A_183 : i32
      %swap3A_185 = arith.index_cast %add3A_184 : i32 to index
      %swap3A_186 = arith.constant 0 : index
      %swap3A_187 = tpu.vector_load %arg6[%swap3A_185, %swap3A_186] {strides = array<i32>} : memref<128x16xf32, #tpu.memory_space<vmem>>, vector<1x16xf32>,
      %swap3A_188 = vector.shape_cast %swap3A_187 : vector<1x16xf32> to vector<16xf32>
      %swap3A_189 = vector.shape_cast %select_n3A_180 : vector<16xf32> to vector<1x16xf32>
      tpu.vector_store %arg6[%swap3A_185, %swap3A_186], %swap3A_189 {strides = array<i32>} : memref<128x16xf32, #tpu.memory_space<vmem>>, vector<1x16xf32>,
    }
    %scan3A_29 = arith.constant 16 : i32
    %dma_start3A_30 = arith.constant 0 : i32
    %dma_start3A_31 = arith.constant 0 : i32
    %dma_start3A_32 = tpu.memref_slice %arg6[%dma_start3A_30, %dma_start3A_31] : memref<128x16xf32, #tpu.memory_space<vmem>> -> memref<64x16xf32, #tpu.memory_space<vmem>>
    %dma_start3A_33 = arith.constant 0 : i32
    %dma_start3A_34 = tpu.memref_slice %arg4[%mul3A_2, %dma_start3A_33] : memref<4096x16xf32, #tpu.memory_space<hbm>> -> memref<64x16xf32, #tpu.memory_space<hbm>>
    %dma_start3A_35 = arith.constant 0 : i32
    %dma_start3A_36 = tpu.memref_slice %arg4[%mul3A_2, %dma_start3A_35] : memref<4096x16xf32, #tpu.memory_space<hbm>> -> memref<64x16xf32, #tpu.memory_space<hbm>>
    %dma_start3A_37 = arith.constant 0 : i32
    %dma_start3A_38 = arith.constant 0 : i32
    %dma_start3A_39 = tpu.memref_slice %arg6[%dma_start3A_37, %dma_start3A_38] : memref<128x16xf32, #tpu.memory_space<vmem>> -> memref<64x16xf32, #tpu.memory_space<vmem>>
    tpu.enqueue_dma source(%dma_start3A_39 : memref<64x16xf32, #tpu.memory_space<vmem>>) target(%dma_start3A_36 : memref<64x16xf32, #tpu.memory_space<hbm>>) target_semaphore(%arg7 : memref<!tpu.dma_semaphore, #tpu.memory_space<semaphore_mem>>)
    %dma_wait3A_40 = arith.constant 64 : i32
    %dma_wait3A_41 = arith.constant 0 : i32
    %dma_wait3A_42 = tpu.memref_slice %arg6[%dma_wait3A_40, %dma_wait3A_41] : memref<128x16xf32, #tpu.memory_space<vmem>> -> memref<64x16xf32, #tpu.memory_space<vmem>>
    %dma_wait3A_43 = arith.constant 64 : i32
    %dma_wait3A_44 = tpu.memref_slice %arg5[%dma_wait3A_43] : memref<128xi32, #tpu.memory_space<vmem>> -> memref<64xi32, #tpu.memory_space<vmem>>
    %dma_wait3A_45 = arith.constant 0 : i32
    %dma_wait3A_46 = arith.constant 0 : i32
    %dma_wait3A_47 = tpu.memref_slice %arg2[%dma_wait3A_45, %dma_wait3A_46] : memref<128x16xf32, #tpu.memory_space<hbm>> -> memref<128x16xf32, #tpu.memory_space<hbm>>
    tpu.wait_indirect_dma semaphore(%arg8 : memref<!tpu.dma_semaphore, #tpu.memory_space<semaphore_mem>>) src(%dma_wait3A_47 : memref<128x16xf32, #tpu.memory_space<hbm>>) dst(%dma_wait3A_42 : memref<64x16xf32, #tpu.memory_space<vmem>>)
    %scan3A_48 = arith.constant 0 : i32
    %scan3A_49 = arith.constant 16 : i32
    %scan3A_50 = arith.constant 16 : i32
    %scan3A_51 = arith.addi %scan3A_49, %scan3A_50 : i32
    %scan3A_52 = arith.constant 1 : i32
    scf.for %scan3A_66 = %scan3A_49 to %scan3A_51 step %scan3A_52  : i32 {
      %mul3A_67 = arith.constant 4 : i32
      %mul3A_68 = arith.muli %scan3A_66, %mul3A_67 : i32
      %add3A_69 = arith.constant 0 : i32
      %add3A_70 = arith.addi %mul3A_68, %add3A_69 : i32
      %get3A = arith.index_cast %add3A_70 : i32 to index
      %get3A_71 = arith.constant 0 : index
      %get3A_72 = tpu.vector_load %arg6[%get3A, %get3A_71] {strides = array<i32>} : memref<128x16xf32, #tpu.memory_space<vmem>>, vector<1x16xf32>,
      %get3A_73 = vector.shape_cast %get3A_72 : vector<1x16xf32> to vector<16xf32>
      %neg3A = arith.constant 0.000000e+00 : f32
      %neg3A_74 = vector.broadcast %neg3A : f32 to vector<16xf32>
      %neg3A_75 = arith.subf %neg3A_74, %get3A_73 : vector<16xf32>
      %exp3A = math.exp %neg3A_75 : vector<16xf32>
      %add3A_76 = arith.constant 1.000000e+00 : f32
      %add3A_77 = vector.broadcast %add3A_76 : f32 to vector<16xf32>
      %add3A_78 = arith.addf %add3A_77, %exp3A : vector<16xf32>
      %div3A = arith.constant 1.000000e+00 : f32
      %div3A_79 = vector.broadcast %div3A : f32 to vector<16xf32>
      %div3A_80 = arith.divf %div3A_79, %add3A_78 : vector<16xf32>
      %eq3A = arith.constant 0 : i32
      %eq3A_81 = vector.broadcast %eq3A : i32 to vector<16xi32>
      %eq3A_82 = arith.cmpi eq, %iota3A, %eq3A_81 : vector<16xi32>
      %jit3A = arith.constant 1.000000e+00 : f32
      %broadcast_in_dim3A = vector.broadcast %jit3A : f32 to vector<16xf32>
      %select_n3A = arith.select %eq3A_82, %div3A_80, %broadcast_in_dim3A : vector<16xi1>, vector<16xf32>
      %mul3A_83 = arith.constant 4 : i32
      %mul3A_84 = arith.muli %scan3A_66, %mul3A_83 : i32
      %add3A_85 = arith.constant 0 : i32
      %add3A_86 = arith.addi %mul3A_84, %add3A_85 : i32
      %swap3A = arith.index_cast %add3A_86 : i32 to index
      %swap3A_87 = arith.constant 0 : index
      %swap3A_88 = tpu.vector_load %arg6[%swap3A, %swap3A_87] {strides = array<i32>} : memref<128x16xf32, #tpu.memory_space<vmem>>, vector<1x16xf32>,
      %swap3A_89 = vector.shape_cast %swap3A_88 : vector<1x16xf32> to vector<16xf32>
      %swap3A_90 = vector.shape_cast %select_n3A : vector<16xf32> to vector<1x16xf32>
      tpu.vector_store %arg6[%swap3A, %swap3A_87], %swap3A_90 {strides = array<i32>} : memref<128x16xf32, #tpu.memory_space<vmem>>, vector<1x16xf32>,
      %mul3A_91 = arith.constant 4 : i32
      %mul3A_92 = arith.muli %scan3A_66, %mul3A_91 : i32
      %add3A_93 = arith.constant 1 : i32
      %add3A_94 = arith.addi %mul3A_92, %add3A_93 : i32
      %get3A_95 = arith.index_cast %add3A_94 : i32 to index
      %get3A_96 = arith.constant 0 : index
      %get3A_97 = tpu.vector_load %arg6[%get3A_95, %get3A_96] {strides = array<i32>} : memref<128x16xf32, #tpu.memory_space<vmem>>, vector<1x16xf32>,
      %get3A_98 = vector.shape_cast %get3A_97 : vector<1x16xf32> to vector<16xf32>
      %neg3A_99 = arith.constant 0.000000e+00 : f32
      %neg3A_100 = vector.broadcast %neg3A_99 : f32 to vector<16xf32>
      %neg3A_101 = arith.subf %neg3A_100, %get3A_98 : vector<16xf32>
      %exp3A_102 = math.exp %neg3A_101 : vector<16xf32>
      %add3A_103 = arith.constant 1.000000e+00 : f32
      %add3A_104 = vector.broadcast %add3A_103 : f32 to vector<16xf32>
      %add3A_105 = arith.addf %add3A_104, %exp3A_102 : vector<16xf32>
      %div3A_106 = arith.constant 1.000000e+00 : f32
      %div3A_107 = vector.broadcast %div3A_106 : f32 to vector<16xf32>
      %div3A_108 = arith.divf %div3A_107, %add3A_105 : vector<16xf32>
      %eq3A_109 = arith.constant 0 : i32
      %eq3A_110 = vector.broadcast %eq3A_109 : i32 to vector<16xi32>
      %eq3A_111 = arith.cmpi eq, %iota3A, %eq3A_110 : vector<16xi32>
      %jit3A_112 = arith.constant 1.000000e+00 : f32
      %broadcast_in_dim3A_113 = vector.broadcast %jit3A_112 : f32 to vector<16xf32>
      %select_n3A_114 = arith.select %eq3A_111, %div3A_108, %broadcast_in_dim3A_113 : vector<16xi1>, vector<16xf32>
      %mul3A_115 = arith.constant 4 : i32
      %mul3A_116 = arith.muli %scan3A_66, %mul3A_115 : i32
      %add3A_117 = arith.constant 1 : i32
      %add3A_118 = arith.addi %mul3A_116, %add3A_117 : i32
      %swap3A_119 = arith.index_cast %add3A_118 : i32 to index
      %swap3A_120 = arith.constant 0 : index
      %swap3A_121 = tpu.vector_load %arg6[%swap3A_119, %swap3A_120] {strides = array<i32>} : memref<128x16xf32, #tpu.memory_space<vmem>>, vector<1x16xf32>,
      %swap3A_122 = vector.shape_cast %swap3A_121 : vector<1x16xf32> to vector<16xf32>
      %swap3A_123 = vector.shape_cast %select_n3A_114 : vector<16xf32> to vector<1x16xf32>
      tpu.vector_store %arg6[%swap3A_119, %swap3A_120], %swap3A_123 {strides = array<i32>} : memref<128x16xf32, #tpu.memory_space<vmem>>, vector<1x16xf32>,
      %mul3A_124 = arith.constant 4 : i32
      %mul3A_125 = arith.muli %scan3A_66, %mul3A_124 : i32
      %add3A_126 = arith.constant 2 : i32
      %add3A_127 = arith.addi %mul3A_125, %add3A_126 : i32
      %get3A_128 = arith.index_cast %add3A_127 : i32 to index
      %get3A_129 = arith.constant 0 : index
      %get3A_130 = tpu.vector_load %arg6[%get3A_128, %get3A_129] {strides = array<i32>} : memref<128x16xf32, #tpu.memory_space<vmem>>, vector<1x16xf32>,
      %get3A_131 = vector.shape_cast %get3A_130 : vector<1x16xf32> to vector<16xf32>
      %neg3A_132 = arith.constant 0.000000e+00 : f32
      %neg3A_133 = vector.broadcast %neg3A_132 : f32 to vector<16xf32>
      %neg3A_134 = arith.subf %neg3A_133, %get3A_131 : vector<16xf32>
      %exp3A_135 = math.exp %neg3A_134 : vector<16xf32>
      %add3A_136 = arith.constant 1.000000e+00 : f32
      %add3A_137 = vector.broadcast %add3A_136 : f32 to vector<16xf32>
      %add3A_138 = arith.addf %add3A_137, %exp3A_135 : vector<16xf32>
      %div3A_139 = arith.constant 1.000000e+00 : f32
      %div3A_140 = vector.broadcast %div3A_139 : f32 to vector<16xf32>
      %div3A_141 = arith.divf %div3A_140, %add3A_138 : vector<16xf32>
      %eq3A_142 = arith.constant 0 : i32
      %eq3A_143 = vector.broadcast %eq3A_142 : i32 to vector<16xi32>
      %eq3A_144 = arith.cmpi eq, %iota3A, %eq3A_143 : vector<16xi32>
      %jit3A_145 = arith.constant 1.000000e+00 : f32
      %broadcast_in_dim3A_146 = vector.broadcast %jit3A_145 : f32 to vector<16xf32>
      %select_n3A_147 = arith.select %eq3A_144, %div3A_141, %broadcast_in_dim3A_146 : vector<16xi1>, vector<16xf32>
      %mul3A_148 = arith.constant 4 : i32
      %mul3A_149 = arith.muli %scan3A_66, %mul3A_148 : i32
      %add3A_150 = arith.constant 2 : i32
      %add3A_151 = arith.addi %mul3A_149, %add3A_150 : i32
      %swap3A_152 = arith.index_cast %add3A_151 : i32 to index
      %swap3A_153 = arith.constant 0 : index
      %swap3A_154 = tpu.vector_load %arg6[%swap3A_152, %swap3A_153] {strides = array<i32>} : memref<128x16xf32, #tpu.memory_space<vmem>>, vector<1x16xf32>,
      %swap3A_155 = vector.shape_cast %swap3A_154 : vector<1x16xf32> to vector<16xf32>
      %swap3A_156 = vector.shape_cast %select_n3A_147 : vector<16xf32> to vector<1x16xf32>
      tpu.vector_store %arg6[%swap3A_152, %swap3A_153], %swap3A_156 {strides = array<i32>} : memref<128x16xf32, #tpu.memory_space<vmem>>, vector<1x16xf32>,
      %mul3A_157 = arith.constant 4 : i32
      %mul3A_158 = arith.muli %scan3A_66, %mul3A_157 : i32
      %add3A_159 = arith.constant 3 : i32
      %add3A_160 = arith.addi %mul3A_158, %add3A_159 : i32
      %get3A_161 = arith.index_cast %add3A_160 : i32 to index
      %get3A_162 = arith.constant 0 : index
      %get3A_163 = tpu.vector_load %arg6[%get3A_161, %get3A_162] {strides = array<i32>} : memref<128x16xf32, #tpu.memory_space<vmem>>, vector<1x16xf32>,
      %get3A_164 = vector.shape_cast %get3A_163 : vector<1x16xf32> to vector<16xf32>
      %neg3A_165 = arith.constant 0.000000e+00 : f32
      %neg3A_166 = vector.broadcast %neg3A_165 : f32 to vector<16xf32>
      %neg3A_167 = arith.subf %neg3A_166, %get3A_164 : vector<16xf32>
      %exp3A_168 = math.exp %neg3A_167 : vector<16xf32>
      %add3A_169 = arith.constant 1.000000e+00 : f32
      %add3A_170 = vector.broadcast %add3A_169 : f32 to vector<16xf32>
      %add3A_171 = arith.addf %add3A_170, %exp3A_168 : vector<16xf32>
      %div3A_172 = arith.constant 1.000000e+00 : f32
      %div3A_173 = vector.broadcast %div3A_172 : f32 to vector<16xf32>
      %div3A_174 = arith.divf %div3A_173, %add3A_171 : vector<16xf32>
      %eq3A_175 = arith.constant 0 : i32
      %eq3A_176 = vector.broadcast %eq3A_175 : i32 to vector<16xi32>
      %eq3A_177 = arith.cmpi eq, %iota3A, %eq3A_176 : vector<16xi32>
      %jit3A_178 = arith.constant 1.000000e+00 : f32
      %broadcast_in_dim3A_179 = vector.broadcast %jit3A_178 : f32 to vector<16xf32>
      %select_n3A_180 = arith.select %eq3A_177, %div3A_174, %broadcast_in_dim3A_179 : vector<16xi1>, vector<16xf32>
      %mul3A_181 = arith.constant 4 : i32
      %mul3A_182 = arith.muli %scan3A_66, %mul3A_181 : i32
      %add3A_183 = arith.constant 3 : i32
      %add3A_184 = arith.addi %mul3A_182, %add3A_183 : i32
      %swap3A_185 = arith.index_cast %add3A_184 : i32 to index
      %swap3A_186 = arith.constant 0 : index
      %swap3A_187 = tpu.vector_load %arg6[%swap3A_185, %swap3A_186] {strides = array<i32>} : memref<128x16xf32, #tpu.memory_space<vmem>>, vector<1x16xf32>,
      %swap3A_188 = vector.shape_cast %swap3A_187 : vector<1x16xf32> to vector<16xf32>
      %swap3A_189 = vector.shape_cast %select_n3A_180 : vector<16xf32> to vector<1x16xf32>
      tpu.vector_store %arg6[%swap3A_185, %swap3A_186], %swap3A_189 {strides = array<i32>} : memref<128x16xf32, #tpu.memory_space<vmem>>, vector<1x16xf32>,
    }
    %scan3A_53 = arith.constant 16 : i32
    %add3A_54 = arith.constant 64 : i32
    %add3A_55 = arith.addi %mul3A_2, %add3A_54 : i32
    "tpu.region"() ({
      %run_scoped3A = tpu.sem_alloc : memref<!tpu.dma_semaphore, #tpu.memory_space<semaphore_mem>>
      %dma_start3A_66 = arith.constant 64 : i32
      %dma_start3A_67 = arith.constant 0 : i32
      %dma_start3A_68 = tpu.memref_slice %arg6[%dma_start3A_66, %dma_start3A_67] : memref<128x16xf32, #tpu.memory_space<vmem>> -> memref<64x16xf32, #tpu.memory_space<vmem>>
      %dma_start3A_69 = arith.constant 0 : i32
      %dma_start3A_70 = tpu.memref_slice %arg4[%add3A_55, %dma_start3A_69] : memref<4096x16xf32, #tpu.memory_space<hbm>> -> memref<64x16xf32, #tpu.memory_space<hbm>>
      %dma_start3A_71 = arith.constant 0 : i32
      %dma_start3A_72 = tpu.memref_slice %arg4[%add3A_55, %dma_start3A_71] : memref<4096x16xf32, #tpu.memory_space<hbm>> -> memref<64x16xf32, #tpu.memory_space<hbm>>
      %dma_start3A_73 = arith.constant 64 : i32
      %dma_start3A_74 = arith.constant 0 : i32
      %dma_start3A_75 = tpu.memref_slice %arg6[%dma_start3A_73, %dma_start3A_74] : memref<128x16xf32, #tpu.memory_space<vmem>> -> memref<64x16xf32, #tpu.memory_space<vmem>>
      tpu.enqueue_dma source(%dma_start3A_75 : memref<64x16xf32, #tpu.memory_space<vmem>>) target(%dma_start3A_72 : memref<64x16xf32, #tpu.memory_space<hbm>>) target_semaphore(%run_scoped3A : memref<!tpu.dma_semaphore, #tpu.memory_space<semaphore_mem>>)
      %dma_wait3A_76 = arith.constant 64 : i32
      %dma_wait3A_77 = arith.constant 0 : i32
      %dma_wait3A_78 = tpu.memref_slice %arg6[%dma_wait3A_76, %dma_wait3A_77] : memref<128x16xf32, #tpu.memory_space<vmem>> -> memref<64x16xf32, #tpu.memory_space<vmem>>
      %dma_wait3A_79 = arith.constant 0 : i32
      %dma_wait3A_80 = tpu.memref_slice %arg4[%add3A_55, %dma_wait3A_79] : memref<4096x16xf32, #tpu.memory_space<hbm>> -> memref<64x16xf32, #tpu.memory_space<hbm>>
      %dma_wait3A_81 = arith.constant 0 : i32
      %dma_wait3A_82 = tpu.memref_slice %arg4[%add3A_55, %dma_wait3A_81] : memref<4096x16xf32, #tpu.memory_space<hbm>> -> memref<64x16xf32, #tpu.memory_space<hbm>>
      %dma_wait3A_83 = arith.constant 64 : i32
      %dma_wait3A_84 = arith.constant 0 : i32
      %dma_wait3A_85 = tpu.memref_slice %arg6[%dma_wait3A_83, %dma_wait3A_84] : memref<128x16xf32, #tpu.memory_space<vmem>> -> memref<64x16xf32, #tpu.memory_space<vmem>>
      tpu.wait_dma2 semaphore(%run_scoped3A : memref<!tpu.dma_semaphore, #tpu.memory_space<semaphore_mem>>) src(%dma_wait3A_85 : memref<64x16xf32, #tpu.memory_space<vmem>>) dst(%dma_wait3A_82 : memref<64x16xf32, #tpu.memory_space<hbm>>)
      tpu.yield
    }) : () -> ()
    %dma_wait3A_56 = arith.constant 0 : i32
    %dma_wait3A_57 = arith.constant 0 : i32
    %dma_wait3A_58 = tpu.memref_slice %arg6[%dma_wait3A_56, %dma_wait3A_57] : memref<128x16xf32, #tpu.memory_space<vmem>> -> memref<64x16xf32, #tpu.memory_space<vmem>>
    %dma_wait3A_59 = arith.constant 0 : i32
    %dma_wait3A_60 = tpu.memref_slice %arg4[%mul3A_2, %dma_wait3A_59] : memref<4096x16xf32, #tpu.memory_space<hbm>> -> memref<64x16xf32, #tpu.memory_space<hbm>>
    %dma_wait3A_61 = arith.constant 0 : i32
    %dma_wait3A_62 = tpu.memref_slice %arg4[%mul3A_2, %dma_wait3A_61] : memref<4096x16xf32, #tpu.memory_space<hbm>> -> memref<64x16xf32, #tpu.memory_space<hbm>>
    %dma_wait3A_63 = arith.constant 0 : i32
    %dma_wait3A_64 = arith.constant 0 : i32
    %dma_wait3A_65 = tpu.memref_slice %arg6[%dma_wait3A_63, %dma_wait3A_64] : memref<128x16xf32, #tpu.memory_space<vmem>> -> memref<64x16xf32, #tpu.memory_space<vmem>>
    tpu.wait_dma2 semaphore(%arg7 : memref<!tpu.dma_semaphore, #tpu.memory_space<semaphore_mem>>) src(%dma_wait3A_65 : memref<64x16xf32, #tpu.memory_space<vmem>>) dst(%dma_wait3A_62 : memref<64x16xf32, #tpu.memory_space<hbm>>)
    return
  }
}

module attributes {stable_mosaic.version = 14 : i64} {
  func.func @_mil_body(%arg0: i32, %arg1: memref<1x1xf32, #tpu.memory_space<smem>>, %arg2: memref<1x1xf32, #tpu.memory_space<smem>>, %arg3: memref<1x1xf32, #tpu.memory_space<smem>>, %arg4: memref<1x1xf32, #tpu.memory_space<smem>>, %arg5: memref<4096x16xf32, #tpu.memory_space<vmem>>, %arg6: memref<512x4096xf32, #tpu.memory_space<vmem>>, %arg7: memref<512x1xf32, #tpu.memory_space<vmem>>, %arg8: memref<2x1x256xf32, #tpu.memory_space<vmem>>, %arg9: memref<2x1x1xf32, #tpu.memory_space<vmem>>) attributes {dimension_semantics = [#tpu.dimension_semantics<parallel>], iteration_bounds = array<i64: 8>, scalar_prefetch = 0 : i64, scratch_operands = 0 : i64, tpu.core_type = #tpu.core_type<tc>, window_params = [{transform_indices = @transform_0, window_bounds = array<i64: 1, 1>}, {transform_indices = @transform_1, window_bounds = array<i64: 1, 1>}, {transform_indices = @transform_2, window_bounds = array<i64: 1, 1>}, {transform_indices = @transform_3, window_bounds = array<i64: 1, 1>}, {pipeline_mode = #tpu.pipeline_mode<synchronous>, transform_indices = @transform_4, window_bounds = array<i64: 4096, 16>}, {transform_indices = @transform_5, window_bounds = array<i64: 512, 4096>}, {transform_indices = @transform_6, window_bounds = array<i64: 512, 1>}, {transform_indices = @transform_7, window_bounds = array<i64: 2, 1, 256>}, {transform_indices = @transform_8, window_bounds = array<i64: 2, 1, 1>}]} {
    %get3A = arith.constant 0 : index
    %get3A_0 = arith.constant 0 : index
    %get3A_1 = memref.load %arg1[%get3A, %get3A_0] : memref<1x1xf32, #tpu.memory_space<smem>>
    %exp3A = math.exp %get3A_1 : f32
    %get3A_2 = arith.constant 0 : index
    %get3A_3 = arith.constant 0 : index
    %get3A_4 = memref.load %arg2[%get3A_2, %get3A_3] : memref<1x1xf32, #tpu.memory_space<smem>>
    %exp3A_5 = math.exp %get3A_4 : f32
    %neg3A = arith.constant 0.000000e+00 : f32
    %neg3A_6 = arith.subf %neg3A, %exp3A_5 : f32
    %get3A_7 = arith.constant 0 : index
    %get3A_8 = arith.constant 0 : index
    %get3A_9 = vector.load %arg6[%get3A_7, %get3A_8] : memref<512x4096xf32, #tpu.memory_space<vmem>>, vector<512x4096xf32>
    %mul3A = vector.broadcast %neg3A_6 : f32 to vector<512x4096xf32>
    %mul3A_10 = arith.mulf %mul3A, %get3A_9 : vector<512x4096xf32>
    %min3A = arith.constant 7.500000e+01 : f32
    %min3A_11 = vector.broadcast %min3A : f32 to vector<512x4096xf32>
    %min3A_12 = arith.minimumf %mul3A_10, %min3A_11 : vector<512x4096xf32>
    %exp3A_13 = math.exp %min3A_12 : vector<512x4096xf32>
    %get3A_14 = arith.constant 0 : index
    %get3A_15 = arith.constant 0 : index
    %get3A_16 = vector.load %arg5[%get3A_14, %get3A_15] : memref<4096x16xf32, #tpu.memory_space<vmem>>, vector<4096x16xf32>
    %dot_general3A = arith.constant dense<0.000000e+00> : vector<512x16xf32>
    %dot_general3A_17 = tpu.matmul %exp3A_13, %get3A_16, %dot_general3A {dimension_numbers = #tpu.dot_dimension_numbers<[1], [0], [0], [1], [0, 0, 1, 1], [], []>, transpose_lhs_hint = false} : vector<512x4096xf32>, vector<4096x16xf32>, vector<512x16xf32> -> vector<512x16xf32>
    %slice3A = vector.extract_strided_slice %dot_general3A_17 {offsets = [0, 0], sizes = [512, 1], strides = [1, 1]} : vector<512x16xf32> to vector<512x1xf32>
    %slice3A_18 = vector.extract_strided_slice %dot_general3A_17 {offsets = [0, 1], sizes = [512, 1], strides = [1, 1]} : vector<512x16xf32> to vector<512x1xf32>
    %div3A = arith.divf %slice3A, %slice3A_18 : vector<512x1xf32>
    %reshape3A = vector.shape_cast %div3A : vector<512x1xf32> to vector<2x256x1xf32>
    %neg3A_19 = arith.constant 0.000000e+00 : f32
    %neg3A_20 = arith.subf %neg3A_19, %exp3A : f32
    %get3A_21 = arith.constant 0 : index
    %get3A_22 = arith.constant 0 : index
    %get3A_23 = vector.load %arg7[%get3A_21, %get3A_22] : memref<512x1xf32, #tpu.memory_space<vmem>>, vector<512x1xf32>
    %reshape3A_24 = vector.shape_cast %get3A_23 : vector<512x1xf32> to vector<2x256x1xf32>
    %mul3A_25 = vector.broadcast %neg3A_20 : f32 to vector<2x256x1xf32>
    %mul3A_26 = arith.mulf %mul3A_25, %reshape3A_24 : vector<2x256x1xf32>
    %neg3A_27 = arith.constant 0.000000e+00 : f32
    %neg3A_28 = arith.subf %neg3A_27, %exp3A : f32
    %get3A_29 = arith.constant 0 : index
    %get3A_30 = arith.constant 0 : index
    %get3A_31 = arith.constant 0 : index
    %get3A_32 = vector.load %arg8[%get3A_29, %get3A_30, %get3A_31] : memref<2x1x256xf32, #tpu.memory_space<vmem>>, vector<2x1x256xf32>
    %mul3A_33 = vector.broadcast %neg3A_28 : f32 to vector<2x1x256xf32>
    %mul3A_34 = arith.mulf %mul3A_33, %get3A_32 : vector<2x1x256xf32>
    %gt3A = vector.broadcast %mul3A_34 : vector<2x1x256xf32> to vector<2x256x256xf32>
    %gt3A_35 = vector.broadcast %mul3A_26 : vector<2x256x1xf32> to vector<2x256x256xf32>
    %gt3A_36 = arith.cmpf ogt, %gt3A, %gt3A_35 : vector<2x256x256xf32>
    %convert_element_type3A = arith.extui %gt3A_36 : vector<2x256x256xi1> to vector<2x256x256xi32>
    %convert_element_type3A_37 = arith.sitofp %convert_element_type3A : vector<2x256x256xi32> to vector<2x256x256xf32>
    %reduce_sum3A = arith.constant dense<0.000000e+00> : vector<2x256xf32>
    %reduce_sum3A_38 = vector.multi_reduction <add>, %convert_element_type3A_37, %reduce_sum3A [2] : vector<2x256x256xf32> to vector<2x256xf32>
    %broadcast_in_dim3A = vector.shape_cast %reduce_sum3A_38 : vector<2x256xf32> to vector<2x256x1xf32>
    %mul3A_39 = vector.broadcast %mul3A_34 : vector<2x1x256xf32> to vector<2x256x256xf32>
    %mul3A_40 = arith.mulf %mul3A_39, %convert_element_type3A_37 : vector<2x256x256xf32>
    %reduce_sum3A_41 = arith.constant dense<0.000000e+00> : vector<2x256xf32>
    %reduce_sum3A_42 = vector.multi_reduction <add>, %mul3A_40, %reduce_sum3A_41 [2] : vector<2x256x256xf32> to vector<2x256xf32>
    %broadcast_in_dim3A_43 = vector.shape_cast %reduce_sum3A_42 : vector<2x256xf32> to vector<2x256x1xf32>
    %mul3A_44 = arith.mulf %broadcast_in_dim3A, %mul3A_26 : vector<2x256x1xf32>
    %add3A = arith.constant 1.000000e+00 : f32
    %add3A_45 = vector.broadcast %add3A : f32 to vector<2x256x1xf32>
    %add3A_46 = arith.addf %mul3A_44, %add3A_45 : vector<2x256x1xf32>
    %gt3A_47 = arith.cmpf ogt, %add3A_46, %broadcast_in_dim3A_43 : vector<2x256x1xf32>
    %convert_element_type3A_48 = arith.extui %gt3A_47 : vector<2x256x1xi1> to vector<2x256x1xi32>
    %convert_element_type3A_49 = arith.sitofp %convert_element_type3A_48 : vector<2x256x1xi32> to vector<2x256x1xf32>
    %reduce_sum3A_50 = arith.constant dense<0.000000e+00> : vector<2x1xf32>
    %reduce_sum3A_51 = vector.multi_reduction <add>, %convert_element_type3A_49, %reduce_sum3A_50 [1] : vector<2x256x1xf32> to vector<2x1xf32>
    %broadcast_in_dim3A_52 = vector.shape_cast %reduce_sum3A_51 : vector<2x1xf32> to vector<2x1x1xf32>
    %mul3A_53 = arith.mulf %convert_element_type3A_49, %mul3A_26 : vector<2x256x1xf32>
    %reduce_sum3A_54 = arith.constant dense<0.000000e+00> : vector<2x1xf32>
    %reduce_sum3A_55 = vector.multi_reduction <add>, %mul3A_53, %reduce_sum3A_54 [1] : vector<2x256x1xf32> to vector<2x1xf32>
    %broadcast_in_dim3A_56 = vector.shape_cast %reduce_sum3A_55 : vector<2x1xf32> to vector<2x1x1xf32>
    %sub3A = arith.constant 1.000000e+00 : f32
    %sub3A_57 = vector.broadcast %sub3A : f32 to vector<2x1x1xf32>
    %sub3A_58 = arith.subf %broadcast_in_dim3A_56, %sub3A_57 : vector<2x1x1xf32>
    %div3A_59 = arith.divf %sub3A_58, %broadcast_in_dim3A_52 : vector<2x1x1xf32>
    %sub3A_60 = vector.broadcast %div3A_59 : vector<2x1x1xf32> to vector<2x256x1xf32>
    %sub3A_61 = arith.subf %mul3A_26, %sub3A_60 : vector<2x256x1xf32>
    %max3A = arith.constant 0.000000e+00 : f32
    %max3A_62 = vector.broadcast %max3A : f32 to vector<2x256x1xf32>
    %max3A_63 = arith.maximumf %sub3A_61, %max3A_62 : vector<2x256x1xf32>
    %mul3A_64 = arith.mulf %max3A_63, %reshape3A : vector<2x256x1xf32>
    %reduce_sum3A_65 = arith.constant dense<0.000000e+00> : vector<2x1xf32>
    %reduce_sum3A_66 = vector.multi_reduction <add>, %mul3A_64, %reduce_sum3A_65 [1] : vector<2x256x1xf32> to vector<2x1xf32>
    %broadcast_in_dim3A_67 = vector.shape_cast %reduce_sum3A_66 : vector<2x1xf32> to vector<2x1x1xf32>
    %get3A_68 = arith.constant 0 : index
    %get3A_69 = arith.constant 0 : index
    %get3A_70 = memref.load %arg3[%get3A_68, %get3A_69] : memref<1x1xf32, #tpu.memory_space<smem>>
    %exp3A_71 = math.exp %get3A_70 : f32
    %get3A_72 = arith.constant 0 : index
    %get3A_73 = arith.constant 0 : index
    %get3A_74 = memref.load %arg4[%get3A_72, %get3A_73] : memref<1x1xf32, #tpu.memory_space<smem>>
    %mul3A_75 = vector.broadcast %exp3A_71 : f32 to vector<2x1x1xf32>
    %mul3A_76 = arith.mulf %mul3A_75, %broadcast_in_dim3A_67 : vector<2x1x1xf32>
    %add3A_77 = vector.broadcast %get3A_74 : f32 to vector<2x1x1xf32>
    %add3A_78 = arith.addf %mul3A_76, %add3A_77 : vector<2x1x1xf32>
    %neg3A_79 = arith.constant 0.000000e+00 : f32
    %neg3A_80 = vector.broadcast %neg3A_79 : f32 to vector<2x1x1xf32>
    %neg3A_81 = arith.subf %neg3A_80, %add3A_78 : vector<2x1x1xf32>
    %exp3A_82 = math.exp %neg3A_81 : vector<2x1x1xf32>
    %add3A_83 = arith.constant 1.000000e+00 : f32
    %add3A_84 = vector.broadcast %add3A_83 : f32 to vector<2x1x1xf32>
    %add3A_85 = arith.addf %add3A_84, %exp3A_82 : vector<2x1x1xf32>
    %div3A_86 = arith.constant 1.000000e+00 : f32
    %div3A_87 = vector.broadcast %div3A_86 : f32 to vector<2x1x1xf32>
    %div3A_88 = arith.divf %div3A_87, %add3A_85 : vector<2x1x1xf32>
    %swap3A = arith.constant 0 : index
    %swap3A_89 = arith.constant 0 : index
    %swap3A_90 = arith.constant 0 : index
    %swap3A_91 = vector.load %arg9[%swap3A, %swap3A_89, %swap3A_90] : memref<2x1x1xf32, #tpu.memory_space<vmem>>, vector<2x1x1xf32>
    tpu.vector_store %arg9[%swap3A, %swap3A_89, %swap3A_90], %div3A_88 {strides = array<i32>} : memref<2x1x1xf32, #tpu.memory_space<vmem>>, vector<2x1x1xf32>,
    return
  }
  func.func @transform_0(%arg0: i32) -> (i32, i32) {
    %c0_i32 = arith.constant 0 : i32
    %c0_i32_0 = arith.constant 0 : i32
    %c0_i32_1 = arith.constant 0 : i32
    return %c0_i32, %c0_i32_0 : i32, i32
  }
  func.func @transform_1(%arg0: i32) -> (i32, i32) {
    %c0_i32 = arith.constant 0 : i32
    %c0_i32_0 = arith.constant 0 : i32
    %c0_i32_1 = arith.constant 0 : i32
    return %c0_i32, %c0_i32_0 : i32, i32
  }
  func.func @transform_2(%arg0: i32) -> (i32, i32) {
    %c0_i32 = arith.constant 0 : i32
    %c0_i32_0 = arith.constant 0 : i32
    %c0_i32_1 = arith.constant 0 : i32
    return %c0_i32, %c0_i32_0 : i32, i32
  }
  func.func @transform_3(%arg0: i32) -> (i32, i32) {
    %c0_i32 = arith.constant 0 : i32
    %c0_i32_0 = arith.constant 0 : i32
    %c0_i32_1 = arith.constant 0 : i32
    return %c0_i32, %c0_i32_0 : i32, i32
  }
  func.func @transform_4(%arg0: i32) -> (i32, i32) {
    %c0_i32 = arith.constant 0 : i32
    %c0_i32_0 = arith.constant 0 : i32
    %c0_i32_1 = arith.constant 0 : i32
    return %c0_i32, %c0_i32_0 : i32, i32
  }
  func.func @transform_5(%arg0: i32) -> (i32, i32) {
    %c0_i32 = arith.constant 0 : i32
    %c0_i32_0 = arith.constant 0 : i32
    return %arg0, %c0_i32 : i32, i32
  }
  func.func @transform_6(%arg0: i32) -> (i32, i32) {
    %c0_i32 = arith.constant 0 : i32
    %c0_i32_0 = arith.constant 0 : i32
    return %arg0, %c0_i32 : i32, i32
  }
  func.func @transform_7(%arg0: i32) -> (i32, i32, i32) {
    %c0_i32 = arith.constant 0 : i32
    %c0_i32_0 = arith.constant 0 : i32
    %c0_i32_1 = arith.constant 0 : i32
    return %arg0, %c0_i32, %c0_i32_0 : i32, i32, i32
  }
  func.func @transform_8(%arg0: i32) -> (i32, i32, i32) {
    %c0_i32 = arith.constant 0 : i32
    %c0_i32_0 = arith.constant 0 : i32
    %c0_i32_1 = arith.constant 0 : i32
    return %arg0, %c0_i32, %c0_i32_0 : i32, i32, i32
  }
}

</mosaic_0001>

<sc_bundles>
// kernel: kernel.4.cloned.1.call-start
scs
__scs_entry_jumppad:
0x0: {  	(pc) =	sbr.rel $0x88, $3  }
0x1: {  	(tag) =	ssettag $0x0;
	lr =	simm.s32 $0x1  }
0x2: {  	[smem:$0x3F99] =	sst lr;
	_ =	strace $0xD0000000  }
0x3: {  	_ = 	snop  }
0x4: {  	_ = 	snop  }
0x5: {  	_ = 	snop  }
0x6: {  	_ = 	snop  }
0x7: {  	_ = 	snop  }
__scs_overlays_trampoline_lowered:
0x8: {  	[smem:$0x3FA8] =	sst s0  }
0x9: {  	[smem:$0x3FA9] =	sst s1  }
0xa: {  	[smem:$0x3FAA] =	sst s2  }
0xb: {  	[smem:$0x3FAB] =	sst s3  }
0xc: {  	[smem:$0x3FAC] =	sst s4  }
0xd: {  	[smem:$0x3FAD] =	sst s5  }
0xe: {  	[smem:$0x3FAE] =	sst s6  }
0xf: {  	[smem:$0x3FAF] =	sst s7  }
0x10: {  	[smem:$0x3FB0] =	sst s8  }
0x11: {  	[smem:$0x3FB1] =	sst s9;
	s0 =	simm.s32 @!p0 $0x0  }
0x12: {  	s1 =	sld [smem:$0x3F97];
	s0 =	simm.s32 @p0 $0x1  }
0x13: {  	[smem:$0x3FB2] =	sst s0;
	s0 =	simm.s32 @!p1 $0x0  }
0x14: {  	s2 =	sld [smem:$0x3F96];
	s0 =	simm.s32 @p1 $0x1  }
0x15: {  	[smem:$0x3FB3] =	sst s0;
	s0 =	simm.s32 @!p2 $0x0  }
0x16: {  	s3 =	sld [smem:$0x3FDB];
	s0 =	simm.s32 @p2 $0x1  }
0x17: {  	s4 =	simm.s32 $0x1BF5;
	[smem:$0x3FB5] =	sst s0  }
0x18: {  	s0 =	sld [smem:$0x3F98];
	_ =	swait.ge [sflag:s4], $0x0  }
0x19: {  	s7 =	sld [smem:$0x3F99]  }
0x1a: {  	s8 =	sadd.s32 $0xFFFFE003, lr  }
0x1b: {  	s9 =	sadd.s32 $0xFFFFFEF7, lr;
	s5 =	simm.s32 $0xFFFFFFFF;
	p2 =	slt.u32 s8, $0xFFFFF086  }
0x1c: {  	p1 =	slt.u32 s9, $0xF7A;
	s5 =	simm.s32 @!p2 $0x0  }
0x1d: {  	s5 =	simm.s32 @p1 $0x1;
	p0 =	seq.s32 s7, s2  }
0x1e: {  	s7 =	smul.u32 @!p0 $0xF7A, s2;
	p2 =	seq.s32 @!p0 s5, $0x0  }
0x1f: {  	s9 =	smul.u32 $0xF7A, s1;
	s8 =	simm.s32 @!p0 $0x1BF5;
	p2 =	por !p2, p0  }
0x20: {  	[sflag:s8] =	ssyncset.s32 @!p0 $0xFFFFF086;
	s6 =	sadd.s32 @!p0 s3, s7;
	s7 =	simm.s32 @!p0 $0x108  }
0x21: {  	s3 =	sadd.s32 s3, s9;
	s6 =	sadd.s32 @!p0 $0x88, s6;
	s7 =	simm.s32 @p2 $0x1082  }
0x22: {  	[simem:s7], [sflag:s8] =	dma.local @!p0 [hbm:s6], $0xF7A  }
0x23: {  	s9 =	sor.u32 $0xD0000000, s2;
	s6 =	simm.s32 $0x108;
	_ =	swait.ge @!p0 [sflag:s8], $0x0  }
0x24: {  	s3 =	sadd.s32 $0x88, s3;
	s6 =	simm.s32 @!p1 $0x1082;
	[sflag:s4] =	ssyncset.s32 $0xFFFFF086  }
0x25: {  	[simem:s6], [sflag:s4] =	dma.local [hbm:s3], $0xF7A  }
0x26: {  	[smem:$0x3F99] =	sst s1;
	(tag) =	ssettag s2;
	_ =	strace s9  }
0x27: {  	s1 =	sld [smem:$0x3FA9]  }
0x28: {  	s2 =	sld [smem:$0x3FAA]  }
0x29: {  	s4 =	sld [smem:$0x3FAC]  }
0x2a: {  	p0 =	seq.s32 s5, $0x0;
	s5 =	sld [smem:$0x3FAD]  }
0x2b: {  	s6 =	sld [smem:$0x3FAE]  }
0x2c: {  	s7 =	sld [smem:$0x3FAF]  }
0x2d: {  	s3 =	simm.s32 $0x108;
	s8 =	sld [smem:$0x3FB0]  }
0x2e: {  	s3 =	simm.s32 @!p0 $0x1082;
	s9 =	sld [smem:$0x3FB1]  }
0x2f: {  	lr =	sadd.s32 s0, s3;
	s0 =	sld [smem:$0x3FA8]  }
0x30: {  	s3 =	sld [smem:$0x3FAB]  }
0x31: {  	[smem:$0x3FB4] =	sst s10  }
0x32: {  	s10 =	sld [smem:$0x3FB2];
	_ =	sdelay $0x3  }
0x33: {  	p0 =	seq.s32 s10, $0x1;
	s10 =	sld [smem:$0x3FB4];
	_ =	sdelay $0x3  }
0x34: {  	[smem:$0x3FB4] =	sst s10  }
0x35: {  	s10 =	sld [smem:$0x3FB3];
	_ =	sdelay $0x3  }
0x36: {  	p1 =	seq.s32 s10, $0x1;
	s10 =	sld [smem:$0x3FB4];
	_ =	sdelay $0x3  }
0x37: {  	[smem:$0x3FB4] =	sst s10  }
0x38: {  	s10 =	sld [smem:$0x3FB5]  }
0x39: {  	_ = 	snop;
	(pc) =	sbr.ind lr, $3  }
0x3a: {  	_ = 	snop  }
0x3b: {  	_ = 	snop  }
0x3c: {  	p2 =	seq.s32 s10, $0x1;
	s10 =	sld [smem:$0x3FB4]  }
0x3d: {  	_ =	shalt  }
0x3e: {  	_ =	shalt  }
0x3f: {  	_ =	shalt  }
0x40: {  	_ =	shalt  }
0x41: {  	_ =	shalt  }
0x42: {  	_ =	shalt  }
0x43: {  	_ =	shalt  }
0x44: {  	_ =	shalt  }
0x45: {  	_ =	shalt  }
0x46: {  	_ =	shalt  }
0x47: {  	_ =	shalt  }
0x48: {  	_ =	shalt  }
0x49: {  	_ =	shalt  }
0x4a: {  	_ =	shalt  }
0x4b: {  	_ =	shalt  }
0x4c: {  	_ =	shalt  }
0x4d: {  	_ =	shalt  }
0x4e: {  	_ =	shalt  }
0x4f: {  	_ =	shalt  }
0x50: {  	_ =	shalt  }
0x51: {  	_ =	shalt  }
0x52: {  	_ =	shalt  }
0x53: {  	_ =	shalt  }
0x54: {  	_ =	shalt  }
0x55: {  	_ =	shalt  }
0x56: {  	_ =	shalt  }
0x57: {  	_ =	shalt  }
0x58: {  	_ =	shalt  }
0x59: {  	_ =	shalt  }
0x5a: {  	_ =	shalt  }
0x5b: {  	_ =	shalt  }
0x5c: {  	_ =	shalt  }
0x5d: {  	_ =	shalt  }
0x5e: {  	_ =	shalt  }
0x5f: {  	_ =	shalt  }
0x60: {  	_ =	shalt  }
0x61: {  	_ =	shalt  }
0x62: {  	_ =	shalt  }
0x63: {  	_ =	shalt  }
0x64: {  	_ =	shalt  }
0x65: {  	_ =	shalt  }
0x66: {  	_ =	shalt  }
0x67: {  	_ =	shalt  }
0x68: {  	_ =	shalt  }
0x69: {  	_ =	shalt  }
0x6a: {  	_ =	shalt  }
0x6b: {  	_ =	shalt  }
0x6c: {  	_ =	shalt  }
0x6d: {  	_ =	shalt  }
0x6e: {  	_ =	shalt  }
0x6f: {  	_ =	shalt  }
0x70: {  	_ =	shalt  }
0x71: {  	_ =	shalt  }
0x72: {  	_ =	shalt  }
0x73: {  	_ =	shalt  }
0x74: {  	_ =	shalt  }
0x75: {  	_ =	shalt  }
0x76: {  	_ =	shalt  }
0x77: {  	_ =	shalt  }
0x78: {  	_ =	shalt  }
0x79: {  	_ =	shalt  }
0x7a: {  	_ =	shalt  }
0x7b: {  	_ =	shalt  }
0x7c: {  	_ =	shalt  }
0x7d: {  	_ =	shalt  }
0x7e: {  	_ =	shalt  }
0x7f: {  	_ =	shalt  }
0x80: {  	_ =	shalt  }
0x81: {  	_ =	shalt  }
0x82: {  	_ =	shalt  }
0x83: {  	_ =	shalt  }
0x84: {  	_ =	shalt  }
0x85: {  	_ =	shalt  }
0x86: {  	_ =	shalt  }
0x87: {  	_ =	shalt  }
.Lfunc_end0:
.L_simem_size_0:
called_computation_lowered:
.L_overlay_start_0:
0x88: {  	s2 =	sld [smem:$0x3FD9]  }
0x89: {  	s3 =	sld [smem:$0x3FFE];
	_ =	sdelay $0x1  }
0x8a: {  	s1 =	srdreg.scid  }
0x8b: {  	s0 =	sand.u32 $0x1, s1  }
0x8c: {  	s17 =	sshll.u32 s0, $0xA;
	s2 =	sadd.s32 s3, s2  }
0x8d: {  	s2 =	sadd.s32 s2, s17  }
0x8e: {  	[smem:$0x3FC0] =	sst s2  }
0x8f: {  	_ = 	snop  }
0x90: {  	s2 =	sld [smem:$0x3FC7];
	(tm) =	ssettm $0x1  }
0x91: {  	s18 =	sld [smem:$0x3FFB];
	_ =	sdelay $0x3  }
0x92: {  	_ =	strace s18  }
0x93: {  	s3 =	sld [smem:$0x3FFC];
	_ =	sdelay $0x3  }
0x94: {  	_ =	strace s3  }
0x95: {  	s3 =	sld [smem:$0x3FFD];
	_ =	sdelay $0x3  }
0x96: {  	_ =	strace s3  }
0x97: {  	_ =	strace $0x8FFFFFFF  }
0x98: {  	s19 =	sld [smem:$0x3FDB];
	_ =	sdelay $0x1  }
0x99: {  	s4 =	simm.s32 $_scs_section_size  }
0x9a: {  	s5 =	simm.s32 $_size__tile_overlayer_lowered;
	s6 =	simm.s32 $_tile_overlayer_lowered  }
0x9b: {  	s22 =	simm.s32 $0x1BFF;
	s21 =	sshll.u32 s6, $0x1;
	s3 =	sadd.s32 s4, s19  }
0x9c: {  	s7 =	simm.s32 $0x0;
	s20 =	sshll.u32 s5, $0x1;
	s5 =	sadd.s32 s21, s3  }
0x9d: {  	[timem:s7], [sflag:s22] =	dma.local [hbm:s5], s20  }
0x9e: {  	_ =	swait.ge [sflag:s22], s20  }
0x9f: {  	s4 =	ssub.s32 $0x0, s20;
	[sflag:s22] =	ssyncset.done $0x0  }
0xa0: {  	[sflag:s22] =	ssyncadd.s32 s4;
	_ =	sdelay $0x1  }
0xa1: {  	s23 =	simm.s32 $0x1B8B  }
0xa2: {  	_ =	swait.ge [sflag:s23], $0x1  }
0xa3: {  	[sflag:s23] =	ssyncset.done $0x0  }
0xa4: {  	s25 =	simm.s32 $0x1B8E;
	s24 =	sld [smem:$0x3FFE];
	[sflag:s23] =	ssyncadd.s32 $0xFFFFFFFF  }
0xa5: {  	s26 =	simm.s32 $execute0_lowered;
	[smem:$0x3FD2] =	sst s25  }
0xa6: {  	s5 =	sshll.u32 s26, $0x1;
	_ =	strace $0x80000046;
	[dreg:$0x1] =	wrdreg $0xFFFFFFFF  }
0xa7: {  	s28 =	simm.s32 $_size_execute0_lowered;
	s3 =	sadd.s32 s3, s5;
	[dreg:$0x0] =	wrdreg $0x0  }
0xa8: {  	s5 =	sshll.u32 s28, $0x1;
	[dreg:$0x2] =	wrdreg s3  }
0xa9: {  	[dreg:$0x3] =	wrdreg s5  }
0xaa: {  	[dreg:$0x4] =	wrdreg $0xC0  }
0xab: {  	_ =	task [dreg:s7], $0x5FFFF  }
0xac: {  	[dreg:$0x1] =	wrdreg $0xFFFFFFFF  }
0xad: {  	[dreg:$0x0] =	wrdreg $0x60  }
0xae: {  	[dreg:$0x2] =	wrdreg s24  }
0xaf: {  	[dreg:$0x3] =	wrdreg s2  }
0xb0: {  	[dreg:$0x4] =	wrdreg $0x9  }
0xb1: {  	_ =	task.clear_ibuf [dreg:s7], $0x5FFFF;
	_ =	strace $0x90000046  }
0xb2: {  	s29 =	simm.s32 $0x9;
	_ =	strace $0x80000048  }
0xb3: {  	_ =	swait.ge [sflag:s29], $0x1  }
0xb4: {  	[sflag:s29] =	ssyncadd.s32 $0xFFFFFFFF  }
0xb5: {  	_ =	strace $0x90000048  }
0xb6: {  	_ =	sfence  }
0xb7: {  	s30 =	sld [smem:$0x0];
	_ =	sdelay $0x2  }
0xb8: {  	s31 =	sshll.u32 s1, $0xD;
	s1 =	sshrl.u32 s1, $0x2  }
0xb9: {  	s3 =	sand.u32 $0x4000, s31;
	s1 =	sadd.s32 s1, s30  }
0xba: {  	s0 =	sor.u32 s3, s0;
	s1 =	sshll.u32 s1, $0x11  }
0xbb: {  	s0 =	sor.u32 s1, s0  }
0xbc: {  	s0 =	sadd.s32 $0x8F2B, s0  }
0xbd: {  	[sflag:s0] =	ssyncadd.remote.s32 $0x1  }
0xbe: {  	_ =	sfence.sel $0xFFFF  }
0xbf: {  	[dreg:$0x0] =	wrdreg $0xFFFFFFFF;
	(pc) =	sbr.abs _section_cstart, $3  }
0xc0: {  	[dreg:$0x1] =	wrdreg $0xFFFFFFFF  }
0xc1: {  	_ =	task.clear_ibuf [dreg:s7], $0x2FFFF;
	_ =	strace $0x9FFFFFFF  }
0xc2: {  	(tm) =	ssettm $0x7FFFFFFF  }
0xc3: {  	_ =	shalt  }
tec
execute0_lowered:
.L_overlay_start_1:
0x0: {  	(tag) =	ssettag $0x1  }
0x1: {  	s4 =	rddreg [dreg:$0x0]  }
0x2: {  	s5 =	rddreg [dreg:$0x1]  }
0x3: {  	s0 =	rddreg [dreg:$0x2]  }
0x4: {  	s3 =	srdreg.scid;
	s2 =	simm.s32 $0x0;
	s1 =	stileid.u32  }
0x5: {  	s10 =	simm.s32 $0x80;
	s11 =	simm.s32 $0x480;
	s12 =	simm.s32 $0x1  }
0x6: {  	s13 =	simm.s32 $0x2;
	s14 =	simm.s32 $0x0;
	s6 =	sand.u32 $0x1, s3  }
0x7: {  	[smem:$0x7FF] =	sst s2;
	s30 =	sshll.u32 s1, $0x8;
	s7 =	sshll.u32 s6, $0x7  }
0x8: {  	s3 =	sadd.s32 $0x200, s4;
	s6 =	ssub.s32 $0x2, s6;
	s7 =	sor.u32 s7, s30  }
0x9: {  	_ =	strace $0x80000047;
	s31 =	sshrl.u32 s6, $0x1;
	s8 =	sshll.u32 s7, $0x1  }
0xa: {  	s7 =	sshrl.u32 s7, $0x3;
	s9 =	ssub.s32 s6, s31;
	s8 =	sadd.s32 s8, s4  }
0xb: {  	s4 =	sadd.s32 s5, s7;
	s7 =	smax.u32 s9, $0x1;
	s9 =	simm.s32 $0x40  }
0xc: {  	vm0 =	vmmov $0x1;
	s5 =	sadd.s32 $0x400, s8;
	s6 =	sadd.s32 $0x480, s8;
	s8 =	simm.s32 $0x3  }
.LBB2_1:
0xd: {  	[tilespmem:s2], [sflag:$0x3] =	stream.linear.gather [hbm4b:s4+s2], $0x80, $0x38;
	[tilespmem:$0x880] =	vst v63  }
0xe: {  	_ =	swait.ge [sflag:s8], $0x80  }
0xf: {  	[sflag:s8] =	ssyncset.done $0x0  }
0x10: {  	[sflag:s8] =	ssyncadd.s32 $0xFFFFFF80  }
0x11: {  	[tilespmem:s10], [sflag:$0x1] =	stream.indirect.gather [hbm4b:s3+s9], $0x10, s2, s9, $0xb8;
	[tilespmem:$0x880] =	vst v63  }
0x12: {  	_ = 	snop  }
0x13: {  	[tilespmem:s11], [sflag:$0x2] =	stream.indirect.gather [hbm4b:s3+s9], $0x10, s9, s9, $0xb8;
	[tilespmem:$0x880] =	vst v63  }
0x14: {  	_ =	swait.ge [sflag:s12], $0x400  }
0x15: {  	[sflag:s12] =	ssyncset.done $0x0  }
0x16: {  	s15 =	simm.s32 $0x0;
	[sflag:s12] =	ssyncadd.s32 $0xFFFFFC00  }
0x17: {  	v0 =	vld [tilespmem:s15+$0x80]  }
0x18: {  	v1 =	vld [tilespmem:s15+$0x90]  }
0x19: {  	s16 =	simm.s32 $0x100;
	v2 =	vld [tilespmem:s15+$0xA0]  }
.LBB2_2:
0x1a: {  	p0 =	sne.s32 s16, $0xF00;
	v3 =	vld [tilespmem:s15+$0xB0];
	_ =	sdelay $0x1  }
0x1b: {  	v0 =	vsub.f32 $0.0e+00, v0  }
0x1c: {  	v1 =	vsub.f32 $0.0e+00, v1  }
0x1d: {  	v0 =	vmul.f32 $1.442695020e+00, v0;
	v2 =	vsub.f32 $0.0e+00, v2  }
0x1e: {  	v1 =	vmul.f32 $1.442695020e+00, v1;
	v3 =	vsub.f32 $0.0e+00, v3  }
0x1f: {  	v2 =	vmul.f32 $1.442695020e+00, v2;
	(erf) = vpow2.f32 v0  }
0x20: {  	v0 =	vmul.f32 $1.442695020e+00, v3;
	(erf) = vpow2.f32 v1  }
0x21: {  	(erf) = vpow2.f32 v2  }
0x22: {  	(erf) = vpow2.f32 v0;
	_ =	sdelay $0x5  }
0x23: {  	v0 =	vpop (erf)  }
0x24: {  	v3 =	vadd.f32 $1.000000000e+00, v0;
	v1 =	vpop (erf)  }
0x25: {  	v1 =	vadd.f32 $1.000000000e+00, v1;
	v2 =	vpop (erf)  }
0x26: {  	v2 =	vadd.f32 $1.000000000e+00, v2;
	(erf) = vrcp.f32 v3;
	v0 =	vpop (erf)  }
0x27: {  	v0 =	vadd.f32 $1.000000000e+00, v0;
	(erf) = vrcp.f32 v1  }
0x28: {  	(erf) = vrcp.f32 v2  }
0x29: {  	(erf) = vrcp.f32 v0;
	_ =	sdelay $0x5  }
0x2a: {  	v0 =	vpop (erf)  }
.Ltmp0:
0x2b: {  	v0 =	vnsel vm0, $0x3F800000, v0;
	v1 =	vpop (erf);
	(pc) =	sbr.rel @p0 .LBB2_2-.Ltmp0, $4  }
0x2c: {  	s17 =	sshra.s32 s16, $0x2;
	[tilespmem:s15+$0x80] =	vst v0;
	v1 =	vnsel vm0, $0x3F800000, v1;
	v2 =	vpop (erf)  }
0x2d: {  	v0 =	vld [tilespmem:s17+$0x80];
	[tilespmem:s15+$0x90] =	vst v1;
	v2 =	vnsel vm0, $0x3F800000, v2;
	v3 =	vpop (erf)  }
0x2e: {  	v1 =	vld [tilespmem:s17+$0x90];
	[tilespmem:s15+$0xA0] =	vst v2;
	v3 =	vnsel vm0, $0x3F800000, v3  }
0x2f: {  	s16 =	sadd.s32 $0x100, s16;
	v2 =	vld [tilespmem:s17+$0xA0];
	[tilespmem:s15+$0xB0] =	vst v3;
	s15 =	smov.u32 s17  }
0x30: {  	_ =	sdelay $0x1  }
0x31: {  	v3 =	vld [tilespmem:s15+$0xB0];
	v0 =	vsub.f32 $0.0e+00, v0;
	_ =	sdelay $0x1  }
0x32: {  	v0 =	vmul.f32 $1.442695020e+00, v0  }
0x33: {  	v1 =	vsub.f32 $0.0e+00, v1  }
0x34: {  	v2 =	vsub.f32 $0.0e+00, v2;
	(erf) = vpow2.f32 v0  }
0x35: {  	v1 =	vmul.f32 $1.442695020e+00, v1;
	v3 =	vsub.f32 $0.0e+00, v3  }
0x36: {  	v2 =	vmul.f32 $1.442695020e+00, v2  }
0x37: {  	v0 =	vmul.f32 $1.442695020e+00, v3;
	(erf) = vpow2.f32 v1  }
0x38: {  	(erf) = vpow2.f32 v2  }
0x39: {  	(erf) = vpow2.f32 v0;
	_ =	sdelay $0x3  }
0x3a: {  	v0 =	vpop (erf)  }
0x3b: {  	v0 =	vadd.f32 $1.000000000e+00, v0;
	_ =	sdelay $0x1  }
0x3c: {  	v1 =	vpop (erf)  }
0x3d: {  	v1 =	vadd.f32 $1.000000000e+00, v1;
	v2 =	vpop (erf)  }
0x3e: {  	v2 =	vadd.f32 $1.000000000e+00, v2;
	(erf) = vrcp.f32 v0;
	v0 =	vpop (erf)  }
0x3f: {  	(erf) = vrcp.f32 v1;
	v0 =	vadd.f32 $1.000000000e+00, v0  }
0x40: {  	(erf) = vrcp.f32 v2  }
0x41: {  	(erf) = vrcp.f32 v0;
	_ =	sdelay $0x5  }
0x42: {  	v0 =	vpop (erf)  }
0x43: {  	v0 =	vnsel vm0, $0x3F800000, v0;
	v1 =	vpop (erf)  }
0x44: {  	[tilespmem:s15+$0x80] =	vst v0;
	v0 =	vnsel vm0, $0x3F800000, v1;
	v1 =	vpop (erf)  }
0x45: {  	[tilespmem:s15+$0x90] =	vst v0;
	v0 =	vnsel vm0, $0x3F800000, v1;
	v1 =	vpop (erf)  }
0x46: {  	[tilespmem:s15+$0xA0] =	vst v0;
	v0 =	vnsel vm0, $0x3F800000, v1  }
0x47: {  	s31 =	simm.s32 $0x0;
	[tilespmem:s15+$0xB0] =	vst v0  }
0x48: {  	[hbm4b:s5+s31] =	stream.linear.scatter [tilespmem:s10], [sflag:$0x1], $0x400, $0x38;
	[tilespmem:$0x880] =	vst v63  }
0x49: {  	_ =	swait.ge [sflag:s13], $0x400  }
0x4a: {  	[sflag:s13] =	ssyncset.done $0x0  }
0x4b: {  	s15 =	simm.s32 $0x0;
	[sflag:s13] =	ssyncadd.s32 $0xFFFFFC00  }
0x4c: {  	v0 =	vld [tilespmem:s15+$0x480]  }
0x4d: {  	v1 =	vld [tilespmem:s15+$0x490]  }
0x4e: {  	s16 =	simm.s32 $0x100;
	v2 =	vld [tilespmem:s15+$0x4A0]  }
.LBB2_4:
0x4f: {  	p0 =	sne.s32 s16, $0xF00;
	v3 =	vld [tilespmem:s15+$0x4B0];
	_ =	sdelay $0x1  }
0x50: {  	v0 =	vsub.f32 $0.0e+00, v0  }
0x51: {  	v1 =	vsub.f32 $0.0e+00, v1  }
0x52: {  	v0 =	vmul.f32 $1.442695020e+00, v0;
	v2 =	vsub.f32 $0.0e+00, v2  }
0x53: {  	v1 =	vmul.f32 $1.442695020e+00, v1;
	v3 =	vsub.f32 $0.0e+00, v3  }
0x54: {  	v2 =	vmul.f32 $1.442695020e+00, v2;
	(erf) = vpow2.f32 v0  }
0x55: {  	v0 =	vmul.f32 $1.442695020e+00, v3;
	(erf) = vpow2.f32 v1  }
0x56: {  	(erf) = vpow2.f32 v2  }
0x57: {  	(erf) = vpow2.f32 v0;
	_ =	sdelay $0x5  }
0x58: {  	v0 =	vpop (erf)  }
0x59: {  	v3 =	vadd.f32 $1.000000000e+00, v0;
	v1 =	vpop (erf)  }
0x5a: {  	v1 =	vadd.f32 $1.000000000e+00, v1;
	v2 =	vpop (erf)  }
0x5b: {  	v2 =	vadd.f32 $1.000000000e+00, v2;
	(erf) = vrcp.f32 v3;
	v0 =	vpop (erf)  }
0x5c: {  	v0 =	vadd.f32 $1.000000000e+00, v0;
	(erf) = vrcp.f32 v1  }
0x5d: {  	(erf) = vrcp.f32 v2  }
0x5e: {  	(erf) = vrcp.f32 v0;
	_ =	sdelay $0x5  }
0x5f: {  	v0 =	vpop (erf)  }
.Ltmp1:
0x60: {  	v0 =	vnsel vm0, $0x3F800000, v0;
	v1 =	vpop (erf);
	(pc) =	sbr.rel @p0 .LBB2_4-.Ltmp1, $4  }
0x61: {  	s17 =	sshra.s32 s16, $0x2;
	[tilespmem:s15+$0x480] =	vst v0;
	v1 =	vnsel vm0, $0x3F800000, v1;
	v2 =	vpop (erf)  }
0x62: {  	v0 =	vld [tilespmem:s17+$0x480];
	[tilespmem:s15+$0x490] =	vst v1;
	v2 =	vnsel vm0, $0x3F800000, v2;
	v3 =	vpop (erf)  }
0x63: {  	v1 =	vld [tilespmem:s17+$0x490];
	[tilespmem:s15+$0x4A0] =	vst v2;
	v3 =	vnsel vm0, $0x3F800000, v3  }
0x64: {  	s16 =	sadd.s32 $0x100, s16;
	v2 =	vld [tilespmem:s17+$0x4A0];
	[tilespmem:s15+$0x4B0] =	vst v3;
	s15 =	smov.u32 s17  }
0x65: {  	v3 =	vld [tilespmem:s15+$0x4B0];
	_ =	sdelay $0x1  }
0x66: {  	v0 =	vsub.f32 $0.0e+00, v0  }
0x67: {  	v1 =	vsub.f32 $0.0e+00, v1  }
0x68: {  	v0 =	vmul.f32 $1.442695020e+00, v0;
	v2 =	vsub.f32 $0.0e+00, v2  }
0x69: {  	v1 =	vmul.f32 $1.442695020e+00, v1;
	v3 =	vsub.f32 $0.0e+00, v3  }
0x6a: {  	v2 =	vmul.f32 $1.442695020e+00, v2;
	(erf) = vpow2.f32 v0  }
0x6b: {  	v55 =	vmul.f32 $1.442695020e+00, v3;
	(erf) = vpow2.f32 v1  }
0x6c: {  	(erf) = vpow2.f32 v2  }
0x6d: {  	(erf) = vpow2.f32 v55;
	_ =	sdelay $0x5  }
0x6e: {  	v56 =	vpop (erf)  }
0x6f: {  	v0 =	vadd.f32 $1.000000000e+00, v56;
	v1 =	vpop (erf)  }
0x70: {  	v1 =	vadd.f32 $1.000000000e+00, v1;
	v2 =	vpop (erf)  }
0x71: {  	v2 =	vadd.f32 $1.000000000e+00, v2;
	(erf) = vrcp.f32 v0;
	v57 =	vpop (erf)  }
0x72: {  	v0 =	vadd.f32 $1.000000000e+00, v57;
	(erf) = vrcp.f32 v1  }
0x73: {  	(erf) = vrcp.f32 v2  }
0x74: {  	(erf) = vrcp.f32 v0;
	_ =	sdelay $0x5  }
0x75: {  	v58 =	vpop (erf)  }
0x76: {  	v0 =	vnsel vm0, $0x3F800000, v58;
	v1 =	vpop (erf)  }
0x77: {  	[tilespmem:s15+$0x480] =	vst v0;
	v59 =	vnsel vm0, $0x3F800000, v1;
	v60 =	vpop (erf)  }
0x78: {  	[tilespmem:s15+$0x490] =	vst v59;
	v61 =	vnsel vm0, $0x3F800000, v60;
	v62 =	vpop (erf)  }
0x79: {  	[tilespmem:s15+$0x4A0] =	vst v61;
	v63 =	vnsel vm0, $0x3F800000, v62  }
0x7a: {  	s14 =	sadd.s32 $0x1, s14;
	[tilespmem:s15+$0x4B0] =	vst v63  }
0x7b: {  	[hbm4b:s6+s2] =	stream.linear.scatter [tilespmem:s11], [sflag:$0x3], $0x400, $0x38;
	[tilespmem:$0x880] =	vst v63  }
0x7c: {  	p0 =	sne.s32 s14, s7;
	_ =	swait.ge [sflag:s8], $0x400  }
.Ltmp2:
0x7d: {  	[sflag:s8] =	ssyncset.done $0x0;
	(pc) =	sbr.rel @p0 .LBB2_1-.Ltmp2, $4  }
0x7e: {  	[sflag:s8] =	ssyncadd.s32 $0xFFFFFC00  }
0x7f: {  	_ =	swait.ge [sflag:s12], $0x400  }
0x80: {  	[sflag:s12] =	ssyncset.done $0x0  }
0x81: {  	[sflag:s12] =	ssyncadd.s32 $0xFFFFFC00  }
0x82: {  	_ =	sfence.sel $0x180000  }
0x83: {  	[bflag:$0x0] =	sbarrier.arrive $0xFFFF  }
0x84: {  	p0 =	sne.s32 s1, $0x0;
	_ =	strace $0x90000047  }
0x85: {  	s0 =	sadd.s32 @!p0 $0x100000, s0;
	[bflag:$0x2] =	sbarrier.arrive $0xFFFF  }
0x86: {  	[sflag:s0] =	ssyncadd.tile.s32 @!p0 $0x1;
	_ =	shalt  }
.Lfunc_end2:
_tile_overlayer_lowered:
.L_overlay_start_2:
0x87: {  	(tag) =	ssettag $0x2  }
0x88: {  	s0 =	rddreg [dreg:$0x0];
	s2 =	stileid.u32  }
0x89: {  	s1 =	rddreg [dreg:$0x1];
	p0 =	sne.s32 s2, $0x0  }
0x8a: {  	s3 =	rddreg [dreg:$0x2];
	[bflag:$0x3] =	sbarrier.arrive $0xFFFF;
	s2 =	simm.s32 @!p0 $0x1C03  }
0x8b: {  	[timem:s3], [sflag:s2] =	dma.local @!p0 [hbm:s0], s1  }
0x8c: {  	s0 =	simm.s32 @!p0 $0x3  }
0x8d: {  	_ =	swait.ge @!p0 [sflag:s0], s1  }
0x8e: {  	s1 =	ssub.s32 @!p0 $0x0, s1;
	[sflag:s0] =	ssyncset.done @!p0 $0x0  }
0x8f: {  	[sflag:s0] =	ssyncadd.s32 @!p0 s1  }
0x90: {  	[bflag:$0x3] =	sbarrier.arrive $0xFFFF  }
0x91: {  	_ =	shalt  }

</sc_bundles>
